<compile_context>
chip_gen: v7x
topology: tpu7x:2x2x1
jax: 0.10.2.dev20260603
libtpu: 0.0.44.dev20260713+nightly
codegen_flags: <defaults>
</compile_context>

<pallas_src>
import functools

import jax
import jax.numpy as jnp
from jax import lax
from jax.experimental import pallas as pl
from jax.experimental.pallas import tpu as pltpu
from jax.experimental.pallas import tpu_sc as plsc

_NUM_CLASSES = 1000000
_NUM_SAMPLED = 8192
_S = 32
_D = 64
_NW = 32
_PER_W = _NUM_SAMPLED // _NW


def _sc_gather(W, b, sampled, lab):
    mesh = plsc.VectorSubcoreMesh(core_axis_name="c", subcore_axis_name="s")

    @functools.partial(
        pl.kernel,
        mesh=mesh,
        compiler_params=pltpu.CompilerParams(
            use_tc_tiling_on_sc=False, needs_layout_passes=False),
        out_type=[
            jax.ShapeDtypeStruct((_NUM_SAMPLED, _D), jnp.float32),
            jax.ShapeDtypeStruct((_NUM_SAMPLED,), jnp.float32),
            jax.ShapeDtypeStruct((_S, _D), jnp.float32),
            jax.ShapeDtypeStruct((_S,), jnp.float32),
        ],
        scratch_types=[
            pltpu.VMEM((_PER_W,), jnp.int32),
            pltpu.VMEM((_PER_W, _D), jnp.float32),
            pltpu.VMEM((_PER_W,), jnp.float32),
            pltpu.VMEM((_S,), jnp.int32),
            pltpu.VMEM((_S, _D), jnp.float32),
            pltpu.VMEM((_S,), jnp.float32),
            pltpu.SemaphoreType.DMA,
            pltpu.SemaphoreType.DMA,
        ],
    )
    def k(W_hbm, b_hbm, idx_hbm, lab_hbm, sw_hbm, sb_hbm, tw_hbm, tb_hbm,
          idx_v, rows_v, bv_v, lab_v, trow_v, tbv_v, sem, bsem):
        wid = lax.axis_index("s") * 2 + lax.axis_index("c")
        base = wid * _PER_W
        pltpu.sync_copy(idx_hbm.at[pl.ds(base, _PER_W)], idx_v)
        bcp = pltpu.make_async_copy(b_hbm.at[idx_v], bv_v, bsem)
        bcp.start()
        pltpu.make_async_copy(W_hbm.at[idx_v], rows_v, sem).start()
        pltpu.make_async_copy(W_hbm.at[idx_v], rows_v, sem).wait()
        bcp.wait()
        pltpu.sync_copy(rows_v, sw_hbm.at[pl.ds(base, _PER_W)])
        pltpu.sync_copy(bv_v, sb_hbm.at[pl.ds(base, _PER_W)])

        @pl.when(wid == 0)
        def _():
            pltpu.sync_copy(lab_hbm, lab_v)
            tbcp = pltpu.make_async_copy(b_hbm.at[lab_v], tbv_v, bsem)
            tbcp.start()
            pltpu.make_async_copy(W_hbm.at[lab_v], trow_v, sem).start()
            pltpu.make_async_copy(W_hbm.at[lab_v], trow_v, sem).wait()
            tbcp.wait()
            pltpu.sync_copy(trow_v, tw_hbm)
            pltpu.sync_copy(tbv_v, tb_hbm)

    return k(W, b, sampled, lab)


def _tc_loss_body(h_ref, sw_ref, sb_ref, tw_ref, tb_ref, sidx_ref, lab_ref,
                  out_ref):
    log_range = jnp.log(jnp.float32(_NUM_CLASSES + 1.0))
    h = h_ref[...]
    sw = sw_ref[...]
    dn = (((1,), (1,)), ((), ()))
    logits = lax.dot_general(h, sw, dn, preferred_element_type=jnp.float32)

    sidx = sidx_ref[...]
    c = sidx.astype(jnp.float32)
    samp_lp = jnp.log(
        jnp.log((c + 2.0) / (c + 1.0)) / log_range * _NUM_SAMPLED + 1e-12)
    logits = logits + sb_ref[...] - samp_lp

    lab = lab_ref[...]
    lc = lab.astype(jnp.float32)
    true_lp = jnp.log(
        jnp.log((lc + 2.0) / (lc + 1.0)) / log_range * _NUM_SAMPLED + 1e-12)
    t = (jnp.sum(h * tw_ref[...], axis=1, keepdims=True)
         + tb_ref[...] - true_lp)

    m = jnp.maximum(jnp.max(logits, axis=1, keepdims=True), t)
    ssum = jnp.exp(t - m) + jnp.sum(jnp.exp(logits - m), axis=1, keepdims=True)
    loss = m + jnp.log(ssum) - t
    out_ref[...] = (0.5 * jnp.mean(loss))[None, None]


def _tc_loss(h0, samp_w, samp_b, true_w, true_b, sampled, lab):
    out = pl.pallas_call(
        _tc_loss_body,
        out_shape=jax.ShapeDtypeStruct((1, 1), jnp.float32),
    )(h0, samp_w, samp_b.reshape(1, _NUM_SAMPLED), true_w,
      true_b.reshape(_S, 1), sampled.reshape(1, _NUM_SAMPLED),
      lab.reshape(_S, 1))
    return out[0, 0]


def kernel(hidden, labels, W, b):
    keys = jax.random.split(jax.random.key(42), hidden.shape[0])
    u = jax.random.uniform(keys[0], (_NUM_SAMPLED,), dtype=jnp.float32)
    s = jnp.exp(u * jnp.log(float(_NUM_CLASSES) + 1.0)) - 1.0
    sampled = jnp.clip(s.astype(jnp.int32), 0, _NUM_CLASSES - 1)
    lab = labels[0].reshape(-1).astype(jnp.int32)
    h0 = hidden[0]

    samp_w, samp_b, true_w, true_b = _sc_gather(W, b, sampled, lab)
    return _tc_loss(h0, samp_w, samp_b, true_w, true_b, sampled, lab)

# --- scband reference (transcript-rebuilt; emitter-appended) ---
"""Pipeline reference for scband-sampled-act-79860621902199 (READ-ONLY COPY).

The authoritative reference and input builder live on the scoring server;
editing this copy changes nothing except your own understanding.
"""

import jax, jax.numpy as jnp
import numpy as np

NUM_CLASSES = 1000000
NUM_SAMPLED = 8192
B, S, D = 64, 32, 64


def _log_uniform_sample(key, n, range_max):
    # TF log_uniform_candidate_sampler: c = floor(exp(u * log(range_max+1))) - 1
    u = jax.random.uniform(key, (n,), dtype=jnp.float32)
    s = jnp.exp(u * jnp.log(float(range_max) + 1.0)) - 1.0
    return jnp.clip(s.astype(jnp.int32), 0, range_max - 1)


def _log_uniform_prob(c, range_max):
    c = c.astype(jnp.float32)
    return jnp.log((c + 2.0) / (c + 1.0)) / jnp.log(float(range_max) + 1.0)


def setup_inputs(seed: int = 0) -> dict:
    key = jax.random.key(seed)
    k1, k2, k3 = jax.random.split(key, 3)
    hidden = jax.random.normal(k1, (B, S, D), dtype=jnp.float32)
    labels = jax.random.randint(k2, (B, S, 1), 0, NUM_CLASSES)
    W = jax.random.normal(k3, (NUM_CLASSES, D), dtype=jnp.float32) * 0.02
    b = jnp.zeros((NUM_CLASSES,), dtype=jnp.float32)
    return {"hidden": hidden, "labels": labels, "W": W, "b": b}


def _example_loss(h, lab, W, b, key):
    # h: [S, D], lab: [S, 1] -- mirrors tf.nn.sampled_softmax_loss per map_fn element
    lab_flat = lab.reshape(-1)
    sampled = _log_uniform_sample(key, NUM_SAMPLED, NUM_CLASSES)
    true_w = jnp.take(W, lab_flat, axis=0)          # gather [S, D]
    true_b = jnp.take(b, lab_flat, axis=0)
    samp_w = jnp.take(W, sampled, axis=0)           # gather [NUM_SAMPLED, D]
    samp_b = jnp.take(b, sampled, axis=0)
    true_lp = jnp.log(_log_uniform_prob(lab_flat, NUM_CLASSES) * NUM_SAMPLED + 1e-12)
    samp_lp = jnp.log(_log_uniform_prob(sampled, NUM_CLASSES) * NUM_SAMPLED + 1e-12)
    true_logits = jnp.sum(h * true_w, axis=-1) + true_b - true_lp            # [S]
    sampled_logits = h @ samp_w.T + samp_b[None, :] - samp_lp[None, :]       # [S, NUM_SAMPLED]
    logits = jnp.concatenate([true_logits[:, None], sampled_logits], axis=1)
    # softmax cross entropy with the true class in column 0
    loss = jax.nn.logsumexp(logits, axis=1) - logits[:, 0]
    return jnp.mean(loss)


def reference(hidden, labels, W, b):
    keys = jax.random.split(jax.random.key(42), hidden.shape[0])
    losses = jax.vmap(lambda h, l, k: _example_loss(h, l, W, b, k))(hidden, labels, keys)
    # original layer: 0.5 * reduce_mean(map_fn(...)[0][0]) -> scalar of first example's loss
    loss = 0.5 * jnp.mean(losses[0])
    return loss

if __name__ == "__main__":
    import jax
    _d = setup_inputs()
    print(jax.jit(kernel)(*tuple(_d.values())))

</pallas_src>

<mosaic_0001>
#map = affine_map<(d0, d1) -> (0, 0)>
#map1 = affine_map<(d0, d1) -> (0)>
module attributes {stable_mosaic.version = 14 : i64} {
  func.func @k(%arg0: i32, %arg1: i32, %arg2: memref<1000000x64xf32, #tpu.memory_space<hbm>>, %arg3: memref<1000000xf32, #tpu.memory_space<hbm>>, %arg4: memref<8192xi32, #tpu.memory_space<hbm>>, %arg5: memref<32xi32, #tpu.memory_space<hbm>>, %arg6: memref<8192x64xf32, #tpu.memory_space<hbm>>, %arg7: memref<8192xf32, #tpu.memory_space<hbm>>, %arg8: memref<32x64xf32, #tpu.memory_space<hbm>>, %arg9: memref<32xf32, #tpu.memory_space<hbm>>, %arg10: memref<256xi32, #tpu.memory_space<vmem>>, %arg11: memref<256x64xf32, #tpu.memory_space<vmem>>, %arg12: memref<256xf32, #tpu.memory_space<vmem>>, %arg13: memref<32xi32, #tpu.memory_space<vmem>>, %arg14: memref<32x64xf32, #tpu.memory_space<vmem>>, %arg15: memref<32xf32, #tpu.memory_space<vmem>>, %arg16: memref<!tpu.dma_semaphore, #tpu.memory_space<semaphore_mem>>, %arg17: memref<!tpu.dma_semaphore, #tpu.memory_space<semaphore_mem>>) attributes {dimension_semantics = [#tpu.dimension_semantics<core_parallel>, #tpu.dimension_semantics<subcore_parallel>], iteration_bounds = array<i64: 2, 16>, scalar_prefetch = 0 : i64, scratch_operands = 8 : i64, tpu.core_type = #tpu.core_type<sc_vector_subcore>, window_params = [{transform_indices = #map}, {transform_indices = #map1}, {transform_indices = #map1}, {transform_indices = #map1}, {transform_indices = #map}, {transform_indices = #map1}, {transform_indices = #map}, {transform_indices = #map1}]} {
    %mul3A = arith.constant 2 : i32
    %mul3A_0 = arith.muli %arg1, %mul3A : i32
    %add3A = arith.addi %mul3A_0, %arg0 : i32
    %mul3A_1 = arith.constant 256 : i32
    %mul3A_2 = arith.muli %add3A, %mul3A_1 : i32
    "tpu.region"() ({
      %run_scoped3A = tpu.sem_alloc : memref<!tpu.dma_semaphore, #tpu.memory_space<semaphore_mem>>
      %dma_start3A_13 = tpu.memref_slice %arg4[%mul3A_2] : memref<8192xi32, #tpu.memory_space<hbm>> -> memref<256xi32, #tpu.memory_space<hbm>>
      %dma_start3A_14 = tpu.memref_slice %arg4[%mul3A_2] : memref<8192xi32, #tpu.memory_space<hbm>> -> memref<256xi32, #tpu.memory_space<hbm>>
      tpu.enqueue_dma source(%dma_start3A_14 : memref<256xi32, #tpu.memory_space<hbm>>) target(%arg10 : memref<256xi32, #tpu.memory_space<vmem>>) target_semaphore(%run_scoped3A : memref<!tpu.dma_semaphore, #tpu.memory_space<semaphore_mem>>)
      %dma_wait3A_15 = tpu.memref_slice %arg4[%mul3A_2] : memref<8192xi32, #tpu.memory_space<hbm>> -> memref<256xi32, #tpu.memory_space<hbm>>
      %dma_wait3A_16 = tpu.memref_slice %arg4[%mul3A_2] : memref<8192xi32, #tpu.memory_space<hbm>> -> memref<256xi32, #tpu.memory_space<hbm>>
      tpu.wait_dma2 semaphore(%run_scoped3A : memref<!tpu.dma_semaphore, #tpu.memory_space<semaphore_mem>>) src(%dma_wait3A_16 : memref<256xi32, #tpu.memory_space<hbm>>) dst(%arg10 : memref<256xi32, #tpu.memory_space<vmem>>)
      tpu.yield
    }) : () -> ()
    %dma_start3A = arith.constant 0 : i32
    %dma_start3A_3 = tpu.memref_slice %arg3[%dma_start3A] : memref<1000000xf32, #tpu.memory_space<hbm>> -> memref<1000000xf32, #tpu.memory_space<hbm>>
    tpu.enqueue_indirect_dma source(%dma_start3A_3 : memref<1000000xf32, #tpu.memory_space<hbm>>) target(%arg12 : memref<256xf32, #tpu.memory_space<vmem>>) offsets(%arg10 : memref<256xi32, #tpu.memory_space<vmem>>) semaphore(%arg17 : memref<!tpu.dma_semaphore, #tpu.memory_space<semaphore_mem>>)
    %dma_start3A_4 = arith.constant 0 : i32
    %dma_start3A_5 = arith.constant 0 : i32
    %dma_start3A_6 = tpu.memref_slice %arg2[%dma_start3A_4, %dma_start3A_5] : memref<1000000x64xf32, #tpu.memory_space<hbm>> -> memref<1000000x64xf32, #tpu.memory_space<hbm>>
    tpu.enqueue_indirect_dma source(%dma_start3A_6 : memref<1000000x64xf32, #tpu.memory_space<hbm>>) target(%arg11 : memref<256x64xf32, #tpu.memory_space<vmem>>) offsets(%arg10 : memref<256xi32, #tpu.memory_space<vmem>>) semaphore(%arg16 : memref<!tpu.dma_semaphore, #tpu.memory_space<semaphore_mem>>)
    %dma_wait3A = arith.constant 0 : i32
    %dma_wait3A_7 = arith.constant 0 : i32
    %dma_wait3A_8 = tpu.memref_slice %arg2[%dma_wait3A, %dma_wait3A_7] : memref<1000000x64xf32, #tpu.memory_space<hbm>> -> memref<1000000x64xf32, #tpu.memory_space<hbm>>
    tpu.wait_indirect_dma semaphore(%arg16 : memref<!tpu.dma_semaphore, #tpu.memory_space<semaphore_mem>>) src(%dma_wait3A_8 : memref<1000000x64xf32, #tpu.memory_space<hbm>>) dst(%arg11 : memref<256x64xf32, #tpu.memory_space<vmem>>)
    %dma_wait3A_9 = arith.constant 0 : i32
    %dma_wait3A_10 = tpu.memref_slice %arg3[%dma_wait3A_9] : memref<1000000xf32, #tpu.memory_space<hbm>> -> memref<1000000xf32, #tpu.memory_space<hbm>>
    tpu.wait_indirect_dma semaphore(%arg17 : memref<!tpu.dma_semaphore, #tpu.memory_space<semaphore_mem>>) src(%dma_wait3A_10 : memref<1000000xf32, #tpu.memory_space<hbm>>) dst(%arg12 : memref<256xf32, #tpu.memory_space<vmem>>)
    "tpu.region"() ({
      %run_scoped3A = tpu.sem_alloc : memref<!tpu.dma_semaphore, #tpu.memory_space<semaphore_mem>>
      %dma_start3A_13 = arith.constant 0 : i32
      %dma_start3A_14 = tpu.memref_slice %arg6[%mul3A_2, %dma_start3A_13] : memref<8192x64xf32, #tpu.memory_space<hbm>> -> memref<256x64xf32, #tpu.memory_space<hbm>>
      %dma_start3A_15 = arith.constant 0 : i32
      %dma_start3A_16 = tpu.memref_slice %arg6[%mul3A_2, %dma_start3A_15] : memref<8192x64xf32, #tpu.memory_space<hbm>> -> memref<256x64xf32, #tpu.memory_space<hbm>>
      tpu.enqueue_dma source(%arg11 : memref<256x64xf32, #tpu.memory_space<vmem>>) target(%dma_start3A_16 : memref<256x64xf32, #tpu.memory_space<hbm>>) target_semaphore(%run_scoped3A : memref<!tpu.dma_semaphore, #tpu.memory_space<semaphore_mem>>)
      %dma_wait3A_17 = arith.constant 0 : i32
      %dma_wait3A_18 = tpu.memref_slice %arg6[%mul3A_2, %dma_wait3A_17] : memref<8192x64xf32, #tpu.memory_space<hbm>> -> memref<256x64xf32, #tpu.memory_space<hbm>>
      %dma_wait3A_19 = arith.constant 0 : i32
      %dma_wait3A_20 = tpu.memref_slice %arg6[%mul3A_2, %dma_wait3A_19] : memref<8192x64xf32, #tpu.memory_space<hbm>> -> memref<256x64xf32, #tpu.memory_space<hbm>>
      tpu.wait_dma2 semaphore(%run_scoped3A : memref<!tpu.dma_semaphore, #tpu.memory_space<semaphore_mem>>) src(%arg11 : memref<256x64xf32, #tpu.memory_space<vmem>>) dst(%dma_wait3A_20 : memref<256x64xf32, #tpu.memory_space<hbm>>)
      tpu.yield
    }) : () -> ()
    "tpu.region"() ({
      %run_scoped3A = tpu.sem_alloc : memref<!tpu.dma_semaphore, #tpu.memory_space<semaphore_mem>>
      %dma_start3A_13 = tpu.memref_slice %arg7[%mul3A_2] : memref<8192xf32, #tpu.memory_space<hbm>> -> memref<256xf32, #tpu.memory_space<hbm>>
      %dma_start3A_14 = tpu.memref_slice %arg7[%mul3A_2] : memref<8192xf32, #tpu.memory_space<hbm>> -> memref<256xf32, #tpu.memory_space<hbm>>
      tpu.enqueue_dma source(%arg12 : memref<256xf32, #tpu.memory_space<vmem>>) target(%dma_start3A_14 : memref<256xf32, #tpu.memory_space<hbm>>) target_semaphore(%run_scoped3A : memref<!tpu.dma_semaphore, #tpu.memory_space<semaphore_mem>>)
      %dma_wait3A_15 = tpu.memref_slice %arg7[%mul3A_2] : memref<8192xf32, #tpu.memory_space<hbm>> -> memref<256xf32, #tpu.memory_space<hbm>>
      %dma_wait3A_16 = tpu.memref_slice %arg7[%mul3A_2] : memref<8192xf32, #tpu.memory_space<hbm>> -> memref<256xf32, #tpu.memory_space<hbm>>
      tpu.wait_dma2 semaphore(%run_scoped3A : memref<!tpu.dma_semaphore, #tpu.memory_space<semaphore_mem>>) src(%arg12 : memref<256xf32, #tpu.memory_space<vmem>>) dst(%dma_wait3A_16 : memref<256xf32, #tpu.memory_space<hbm>>)
      tpu.yield
    }) : () -> ()
    %eq3A = arith.constant 0 : i32
    %eq3A_11 = arith.cmpi eq, %add3A, %eq3A : i32
    %convert_element_type3A = arith.extui %eq3A_11 : i1 to i32
    %cond3A = arith.constant 0 : i32
    %cond3A_12 = arith.cmpi ne, %convert_element_type3A, %cond3A : i32
    scf.if %cond3A_12 {
      "tpu.region"() ({
        %run_scoped3A = tpu.sem_alloc : memref<!tpu.dma_semaphore, #tpu.memory_space<semaphore_mem>>
        tpu.enqueue_dma source(%arg5 : memref<32xi32, #tpu.memory_space<hbm>>) target(%arg13 : memref<32xi32, #tpu.memory_space<vmem>>) target_semaphore(%run_scoped3A : memref<!tpu.dma_semaphore, #tpu.memory_space<semaphore_mem>>)
        tpu.wait_dma2 semaphore(%run_scoped3A : memref<!tpu.dma_semaphore, #tpu.memory_space<semaphore_mem>>) src(%arg5 : memref<32xi32, #tpu.memory_space<hbm>>) dst(%arg13 : memref<32xi32, #tpu.memory_space<vmem>>)
        tpu.yield
      }) : () -> ()
      %dma_start3A_13 = arith.constant 0 : i32
      %dma_start3A_14 = tpu.memref_slice %arg3[%dma_start3A_13] : memref<1000000xf32, #tpu.memory_space<hbm>> -> memref<1000000xf32, #tpu.memory_space<hbm>>
      tpu.enqueue_indirect_dma source(%dma_start3A_14 : memref<1000000xf32, #tpu.memory_space<hbm>>) target(%arg15 : memref<32xf32, #tpu.memory_space<vmem>>) offsets(%arg13 : memref<32xi32, #tpu.memory_space<vmem>>) semaphore(%arg17 : memref<!tpu.dma_semaphore, #tpu.memory_space<semaphore_mem>>)
      %dma_start3A_15 = arith.constant 0 : i32
      %dma_start3A_16 = arith.constant 0 : i32
      %dma_start3A_17 = tpu.memref_slice %arg2[%dma_start3A_15, %dma_start3A_16] : memref<1000000x64xf32, #tpu.memory_space<hbm>> -> memref<1000000x64xf32, #tpu.memory_space<hbm>>
      tpu.enqueue_indirect_dma source(%dma_start3A_17 : memref<1000000x64xf32, #tpu.memory_space<hbm>>) target(%arg14 : memref<32x64xf32, #tpu.memory_space<vmem>>) offsets(%arg13 : memref<32xi32, #tpu.memory_space<vmem>>) semaphore(%arg16 : memref<!tpu.dma_semaphore, #tpu.memory_space<semaphore_mem>>)
      %dma_wait3A_18 = arith.constant 0 : i32
      %dma_wait3A_19 = arith.constant 0 : i32
      %dma_wait3A_20 = tpu.memref_slice %arg2[%dma_wait3A_18, %dma_wait3A_19] : memref<1000000x64xf32, #tpu.memory_space<hbm>> -> memref<1000000x64xf32, #tpu.memory_space<hbm>>
      tpu.wait_indirect_dma semaphore(%arg16 : memref<!tpu.dma_semaphore, #tpu.memory_space<semaphore_mem>>) src(%dma_wait3A_20 : memref<1000000x64xf32, #tpu.memory_space<hbm>>) dst(%arg14 : memref<32x64xf32, #tpu.memory_space<vmem>>)
      %dma_wait3A_21 = arith.constant 0 : i32
      %dma_wait3A_22 = tpu.memref_slice %arg3[%dma_wait3A_21] : memref<1000000xf32, #tpu.memory_space<hbm>> -> memref<1000000xf32, #tpu.memory_space<hbm>>
      tpu.wait_indirect_dma semaphore(%arg17 : memref<!tpu.dma_semaphore, #tpu.memory_space<semaphore_mem>>) src(%dma_wait3A_22 : memref<1000000xf32, #tpu.memory_space<hbm>>) dst(%arg15 : memref<32xf32, #tpu.memory_space<vmem>>)
      "tpu.region"() ({
        %run_scoped3A = tpu.sem_alloc : memref<!tpu.dma_semaphore, #tpu.memory_space<semaphore_mem>>
        tpu.enqueue_dma source(%arg14 : memref<32x64xf32, #tpu.memory_space<vmem>>) target(%arg8 : memref<32x64xf32, #tpu.memory_space<hbm>>) target_semaphore(%run_scoped3A : memref<!tpu.dma_semaphore, #tpu.memory_space<semaphore_mem>>)
        tpu.wait_dma2 semaphore(%run_scoped3A : memref<!tpu.dma_semaphore, #tpu.memory_space<semaphore_mem>>) src(%arg14 : memref<32x64xf32, #tpu.memory_space<vmem>>) dst(%arg8 : memref<32x64xf32, #tpu.memory_space<hbm>>)
        tpu.yield
      }) : () -> ()
      "tpu.region"() ({
        %run_scoped3A = tpu.sem_alloc : memref<!tpu.dma_semaphore, #tpu.memory_space<semaphore_mem>>
        tpu.enqueue_dma source(%arg15 : memref<32xf32, #tpu.memory_space<vmem>>) target(%arg9 : memref<32xf32, #tpu.memory_space<hbm>>) target_semaphore(%run_scoped3A : memref<!tpu.dma_semaphore, #tpu.memory_space<semaphore_mem>>)
        tpu.wait_dma2 semaphore(%run_scoped3A : memref<!tpu.dma_semaphore, #tpu.memory_space<semaphore_mem>>) src(%arg15 : memref<32xf32, #tpu.memory_space<vmem>>) dst(%arg9 : memref<32xf32, #tpu.memory_space<hbm>>)
        tpu.yield
      }) : () -> ()
    } else {
    }
    return
  }
}

module attributes {stable_mosaic.version = 14 : i64} {
  func.func @_tc_loss_body(%arg0: memref<32x64xf32, #tpu.memory_space<vmem>>, %arg1: memref<8192x64xf32, #tpu.memory_space<vmem>>, %arg2: memref<1x8192xf32, #tpu.memory_space<vmem>>, %arg3: memref<32x64xf32, #tpu.memory_space<vmem>>, %arg4: memref<32x1xf32, #tpu.memory_space<vmem>>, %arg5: memref<1x8192xi32, #tpu.memory_space<vmem>>, %arg6: memref<32x1xi32, #tpu.memory_space<vmem>>, %arg7: memref<1x1xf32, #tpu.memory_space<vmem>>) attributes {dimension_semantics = [], scalar_prefetch = 0 : i64, scratch_operands = 0 : i64, tpu.core_type = #tpu.core_type<tc>} {
    %log3A = arith.constant 0x49742410 : f32
    %log3A_0 = math.log %log3A : f32
    %get3A = arith.constant 0 : index
    %get3A_1 = arith.constant 0 : index
    %get3A_2 = vector.load %arg0[%get3A, %get3A_1] : memref<32x64xf32, #tpu.memory_space<vmem>>, vector<32x64xf32>
    %get3A_3 = arith.constant 0 : index
    %get3A_4 = arith.constant 0 : index
    %get3A_5 = vector.load %arg1[%get3A_3, %get3A_4] : memref<8192x64xf32, #tpu.memory_space<vmem>>, vector<8192x64xf32>
    %dot_general3A = arith.constant dense<0.000000e+00> : vector<32x8192xf32>
    %dot_general3A_6 = tpu.matmul %get3A_2, %get3A_5, %dot_general3A {dimension_numbers = #tpu.dot_dimension_numbers<[1], [1], [0], [0], [0, 0, 1, 0], [], []>, transpose_lhs_hint = false} : vector<32x64xf32>, vector<8192x64xf32>, vector<32x8192xf32> -> vector<32x8192xf32>
    %get3A_7 = arith.constant 0 : index
    %get3A_8 = arith.constant 0 : index
    %get3A_9 = vector.load %arg5[%get3A_7, %get3A_8] : memref<1x8192xi32, #tpu.memory_space<vmem>>, vector<1x8192xi32>
    %convert_element_type3A = arith.sitofp %get3A_9 : vector<1x8192xi32> to vector<1x8192xf32>
    %add3A = arith.constant 2.000000e+00 : f32
    %add3A_10 = vector.broadcast %add3A : f32 to vector<1x8192xf32>
    %add3A_11 = arith.addf %convert_element_type3A, %add3A_10 : vector<1x8192xf32>
    %add3A_12 = arith.constant 1.000000e+00 : f32
    %add3A_13 = vector.broadcast %add3A_12 : f32 to vector<1x8192xf32>
    %add3A_14 = arith.addf %convert_element_type3A, %add3A_13 : vector<1x8192xf32>
    %div3A = arith.divf %add3A_11, %add3A_14 : vector<1x8192xf32>
    %log3A_15 = math.log %div3A : vector<1x8192xf32>
    %div3A_16 = vector.broadcast %log3A_0 : f32 to vector<1x8192xf32>
    %div3A_17 = arith.divf %log3A_15, %div3A_16 : vector<1x8192xf32>
    %mul3A = arith.constant 8.192000e+03 : f32
    %mul3A_18 = vector.broadcast %mul3A : f32 to vector<1x8192xf32>
    %mul3A_19 = arith.mulf %div3A_17, %mul3A_18 : vector<1x8192xf32>
    %add3A_20 = arith.constant 9.99999996E-13 : f32
    %add3A_21 = vector.broadcast %add3A_20 : f32 to vector<1x8192xf32>
    %add3A_22 = arith.addf %mul3A_19, %add3A_21 : vector<1x8192xf32>
    %log3A_23 = math.log %add3A_22 : vector<1x8192xf32>
    %get3A_24 = arith.constant 0 : index
    %get3A_25 = arith.constant 0 : index
    %get3A_26 = vector.load %arg2[%get3A_24, %get3A_25] : memref<1x8192xf32, #tpu.memory_space<vmem>>, vector<1x8192xf32>
    %add3A_27 = vector.broadcast %get3A_26 : vector<1x8192xf32> to vector<32x8192xf32>
    %add3A_28 = arith.addf %dot_general3A_6, %add3A_27 : vector<32x8192xf32>
    %sub3A = vector.broadcast %log3A_23 : vector<1x8192xf32> to vector<32x8192xf32>
    %sub3A_29 = arith.subf %add3A_28, %sub3A : vector<32x8192xf32>
    %get3A_30 = arith.constant 0 : index
    %get3A_31 = arith.constant 0 : index
    %get3A_32 = vector.load %arg6[%get3A_30, %get3A_31] : memref<32x1xi32, #tpu.memory_space<vmem>>, vector<32x1xi32>
    %convert_element_type3A_33 = arith.sitofp %get3A_32 : vector<32x1xi32> to vector<32x1xf32>
    %add3A_34 = arith.constant 2.000000e+00 : f32
    %add3A_35 = vector.broadcast %add3A_34 : f32 to vector<32x1xf32>
    %add3A_36 = arith.addf %convert_element_type3A_33, %add3A_35 : vector<32x1xf32>
    %add3A_37 = arith.constant 1.000000e+00 : f32
    %add3A_38 = vector.broadcast %add3A_37 : f32 to vector<32x1xf32>
    %add3A_39 = arith.addf %convert_element_type3A_33, %add3A_38 : vector<32x1xf32>
    %div3A_40 = arith.divf %add3A_36, %add3A_39 : vector<32x1xf32>
    %log3A_41 = math.log %div3A_40 : vector<32x1xf32>
    %div3A_42 = vector.broadcast %log3A_0 : f32 to vector<32x1xf32>
    %div3A_43 = arith.divf %log3A_41, %div3A_42 : vector<32x1xf32>
    %mul3A_44 = arith.constant 8.192000e+03 : f32
    %mul3A_45 = vector.broadcast %mul3A_44 : f32 to vector<32x1xf32>
    %mul3A_46 = arith.mulf %div3A_43, %mul3A_45 : vector<32x1xf32>
    %add3A_47 = arith.constant 9.99999996E-13 : f32
    %add3A_48 = vector.broadcast %add3A_47 : f32 to vector<32x1xf32>
    %add3A_49 = arith.addf %mul3A_46, %add3A_48 : vector<32x1xf32>
    %log3A_50 = math.log %add3A_49 : vector<32x1xf32>
    %get3A_51 = arith.constant 0 : index
    %get3A_52 = arith.constant 0 : index
    %get3A_53 = vector.load %arg3[%get3A_51, %get3A_52] : memref<32x64xf32, #tpu.memory_space<vmem>>, vector<32x64xf32>
    %mul3A_54 = arith.mulf %get3A_2, %get3A_53 : vector<32x64xf32>
    %reduce_sum3A = arith.constant dense<0.000000e+00> : vector<32xf32>
    %reduce_sum3A_55 = vector.multi_reduction <add>, %mul3A_54, %reduce_sum3A [1] : vector<32x64xf32> to vector<32xf32>
    %broadcast_in_dim3A = vector.shape_cast %reduce_sum3A_55 : vector<32xf32> to vector<32x1xf32>
    %get3A_56 = arith.constant 0 : index
    %get3A_57 = arith.constant 0 : index
    %get3A_58 = vector.load %arg4[%get3A_56, %get3A_57] : memref<32x1xf32, #tpu.memory_space<vmem>>, vector<32x1xf32>
    %add3A_59 = arith.addf %broadcast_in_dim3A, %get3A_58 : vector<32x1xf32>
    %sub3A_60 = arith.subf %add3A_59, %log3A_50 : vector<32x1xf32>
    %reduce_max3A = arith.constant dense<0xFF800000> : vector<32xf32>
    %reduce_max3A_61 = vector.multi_reduction <maximumf>, %sub3A_29, %reduce_max3A [1] : vector<32x8192xf32> to vector<32xf32>
    %broadcast_in_dim3A_62 = vector.shape_cast %reduce_max3A_61 : vector<32xf32> to vector<32x1xf32>
    %max3A = arith.maximumf %broadcast_in_dim3A_62, %sub3A_60 : vector<32x1xf32>
    %sub3A_63 = arith.subf %sub3A_60, %max3A : vector<32x1xf32>
    %exp3A = math.exp %sub3A_63 : vector<32x1xf32>
    %sub3A_64 = vector.broadcast %max3A : vector<32x1xf32> to vector<32x8192xf32>
    %sub3A_65 = arith.subf %sub3A_29, %sub3A_64 : vector<32x8192xf32>
    %exp3A_66 = math.exp %sub3A_65 : vector<32x8192xf32>
    %reduce_sum3A_67 = arith.constant dense<0.000000e+00> : vector<32xf32>
    %reduce_sum3A_68 = vector.multi_reduction <add>, %exp3A_66, %reduce_sum3A_67 [1] : vector<32x8192xf32> to vector<32xf32>
    %broadcast_in_dim3A_69 = vector.shape_cast %reduce_sum3A_68 : vector<32xf32> to vector<32x1xf32>
    %add3A_70 = arith.addf %exp3A, %broadcast_in_dim3A_69 : vector<32x1xf32>
    %log3A_71 = math.log %add3A_70 : vector<32x1xf32>
    %add3A_72 = arith.addf %max3A, %log3A_71 : vector<32x1xf32>
    %sub3A_73 = arith.subf %add3A_72, %sub3A_60 : vector<32x1xf32>
    %reduce_sum3A_74 = vector.shape_cast %sub3A_73 : vector<32x1xf32> to vector<1x32x1xf32>
    %reduce_sum3A_75 = arith.constant dense<0.000000e+00> : vector<1xf32>
    %reduce_sum3A_76 = vector.multi_reduction <add>, %reduce_sum3A_74, %reduce_sum3A_75 [1, 2] : vector<1x32x1xf32> to vector<1xf32>
    %reduce_sum3A_77 = vector.shape_cast %reduce_sum3A_76 : vector<1xf32> to vector<1x1x1xf32>
    %reduce_sum3A_78 = vector.extract %reduce_sum3A_77[0, 0, 0] : f32 from vector<1x1x1xf32>
    %div3A_79 = arith.constant 3.200000e+01 : f32
    %div3A_80 = arith.divf %reduce_sum3A_78, %div3A_79 : f32
    %mul3A_81 = arith.constant 5.000000e-01 : f32
    %mul3A_82 = arith.mulf %mul3A_81, %div3A_80 : f32
    %broadcast_in_dim3A_83 = vector.broadcast %mul3A_82 : f32 to vector<1x1xf32>
    %swap3A = arith.constant 0 : index
    %swap3A_84 = arith.constant 0 : index
    %swap3A_85 = vector.load %arg7[%swap3A, %swap3A_84] : memref<1x1xf32, #tpu.memory_space<vmem>>, vector<1x1xf32>
    tpu.vector_store %arg7[%swap3A, %swap3A_84], %broadcast_in_dim3A_83 {strides = array<i32>} : memref<1x1xf32, #tpu.memory_space<vmem>>, vector<1x1xf32>,
    return
  }
}

</mosaic_0001>

<sc_bundles>
// kernel: kernel.6.cloned.1.call-start
scs
__scs_entry_jumppad:
0x0: {  	(pc) =	sbr.rel $0x88, $3  }
0x1: {  	(tag) =	ssettag $0x0;
	lr =	simm.s32 $0x1  }
0x2: {  	[smem:$0x3F9D] =	sst lr;
	_ =	strace $0xD0000000  }
0x3: {  	_ = 	snop  }
0x4: {  	_ = 	snop  }
0x5: {  	_ = 	snop  }
0x6: {  	_ = 	snop  }
0x7: {  	_ = 	snop  }
__scs_overlays_trampoline_lowered:
0x8: {  	[smem:$0x3FAC] =	sst s0  }
0x9: {  	[smem:$0x3FAD] =	sst s1  }
0xa: {  	[smem:$0x3FAE] =	sst s2  }
0xb: {  	[smem:$0x3FAF] =	sst s3  }
0xc: {  	[smem:$0x3FB0] =	sst s4  }
0xd: {  	[smem:$0x3FB1] =	sst s5  }
0xe: {  	[smem:$0x3FB2] =	sst s6  }
0xf: {  	[smem:$0x3FB3] =	sst s7  }
0x10: {  	[smem:$0x3FB4] =	sst s8  }
0x11: {  	[smem:$0x3FB5] =	sst s9;
	s0 =	simm.s32 @!p0 $0x0  }
0x12: {  	s1 =	sld [smem:$0x3F9B];
	s0 =	simm.s32 @p0 $0x1  }
0x13: {  	[smem:$0x3FB6] =	sst s0;
	s0 =	simm.s32 @!p1 $0x0  }
0x14: {  	s2 =	sld [smem:$0x3F9A];
	s0 =	simm.s32 @p1 $0x1  }
0x15: {  	[smem:$0x3FB7] =	sst s0;
	s0 =	simm.s32 @!p2 $0x0  }
0x16: {  	s3 =	sld [smem:$0x3FDB];
	s0 =	simm.s32 @p2 $0x1  }
0x17: {  	s4 =	simm.s32 $0x1BF5;
	[smem:$0x3FB9] =	sst s0  }
0x18: {  	s0 =	sld [smem:$0x3F9C];
	_ =	swait.ge [sflag:s4], $0x0  }
0x19: {  	s7 =	sld [smem:$0x3F9D]  }
0x1a: {  	s8 =	sadd.s32 $0xFFFFE003, lr  }
0x1b: {  	s9 =	sadd.s32 $0xFFFFFEF7, lr;
	s5 =	simm.s32 $0xFFFFFFFF;
	p2 =	slt.u32 s8, $0xFFFFF086  }
0x1c: {  	p1 =	slt.u32 s9, $0xF7A;
	s5 =	simm.s32 @!p2 $0x0  }
0x1d: {  	s5 =	simm.s32 @p1 $0x1;
	p0 =	seq.s32 s7, s2  }
0x1e: {  	s7 =	smul.u32 @!p0 $0xF7A, s2;
	p2 =	seq.s32 @!p0 s5, $0x0  }
0x1f: {  	s9 =	smul.u32 $0xF7A, s1;
	s8 =	simm.s32 @!p0 $0x1BF5;
	p2 =	por !p2, p0  }
0x20: {  	[sflag:s8] =	ssyncset.s32 @!p0 $0xFFFFF086;
	s6 =	sadd.s32 @!p0 s3, s7;
	s7 =	simm.s32 @!p0 $0x108  }
0x21: {  	s3 =	sadd.s32 s3, s9;
	s6 =	sadd.s32 @!p0 $0x88, s6;
	s7 =	simm.s32 @p2 $0x1082  }
0x22: {  	[simem:s7], [sflag:s8] =	dma.local @!p0 [hbm:s6], $0xF7A  }
0x23: {  	s9 =	sor.u32 $0xD0000000, s2;
	s6 =	simm.s32 $0x108;
	_ =	swait.ge @!p0 [sflag:s8], $0x0  }
0x24: {  	s3 =	sadd.s32 $0x88, s3;
	s6 =	simm.s32 @!p1 $0x1082;
	[sflag:s4] =	ssyncset.s32 $0xFFFFF086  }
0x25: {  	[simem:s6], [sflag:s4] =	dma.local [hbm:s3], $0xF7A  }
0x26: {  	[smem:$0x3F9D] =	sst s1;
	(tag) =	ssettag s2;
	_ =	strace s9  }
0x27: {  	s1 =	sld [smem:$0x3FAD]  }
0x28: {  	s2 =	sld [smem:$0x3FAE]  }
0x29: {  	s4 =	sld [smem:$0x3FB0]  }
0x2a: {  	p0 =	seq.s32 s5, $0x0;
	s5 =	sld [smem:$0x3FB1]  }
0x2b: {  	s6 =	sld [smem:$0x3FB2]  }
0x2c: {  	s7 =	sld [smem:$0x3FB3]  }
0x2d: {  	s3 =	simm.s32 $0x108;
	s8 =	sld [smem:$0x3FB4]  }
0x2e: {  	s3 =	simm.s32 @!p0 $0x1082;
	s9 =	sld [smem:$0x3FB5]  }
0x2f: {  	lr =	sadd.s32 s0, s3;
	s0 =	sld [smem:$0x3FAC]  }
0x30: {  	s3 =	sld [smem:$0x3FAF]  }
0x31: {  	[smem:$0x3FB8] =	sst s10  }
0x32: {  	s10 =	sld [smem:$0x3FB6];
	_ =	sdelay $0x3  }
0x33: {  	p0 =	seq.s32 s10, $0x1;
	s10 =	sld [smem:$0x3FB8];
	_ =	sdelay $0x3  }
0x34: {  	[smem:$0x3FB8] =	sst s10  }
0x35: {  	s10 =	sld [smem:$0x3FB7];
	_ =	sdelay $0x3  }
0x36: {  	p1 =	seq.s32 s10, $0x1;
	s10 =	sld [smem:$0x3FB8];
	_ =	sdelay $0x3  }
0x37: {  	[smem:$0x3FB8] =	sst s10  }
0x38: {  	s10 =	sld [smem:$0x3FB9]  }
0x39: {  	_ = 	snop;
	(pc) =	sbr.ind lr, $3  }
0x3a: {  	_ = 	snop  }
0x3b: {  	_ = 	snop  }
0x3c: {  	p2 =	seq.s32 s10, $0x1;
	s10 =	sld [smem:$0x3FB8]  }
0x3d: {  	_ =	shalt  }
0x3e: {  	_ =	shalt  }
0x3f: {  	_ =	shalt  }
0x40: {  	_ =	shalt  }
0x41: {  	_ =	shalt  }
0x42: {  	_ =	shalt  }
0x43: {  	_ =	shalt  }
0x44: {  	_ =	shalt  }
0x45: {  	_ =	shalt  }
0x46: {  	_ =	shalt  }
0x47: {  	_ =	shalt  }
0x48: {  	_ =	shalt  }
0x49: {  	_ =	shalt  }
0x4a: {  	_ =	shalt  }
0x4b: {  	_ =	shalt  }
0x4c: {  	_ =	shalt  }
0x4d: {  	_ =	shalt  }
0x4e: {  	_ =	shalt  }
0x4f: {  	_ =	shalt  }
0x50: {  	_ =	shalt  }
0x51: {  	_ =	shalt  }
0x52: {  	_ =	shalt  }
0x53: {  	_ =	shalt  }
0x54: {  	_ =	shalt  }
0x55: {  	_ =	shalt  }
0x56: {  	_ =	shalt  }
0x57: {  	_ =	shalt  }
0x58: {  	_ =	shalt  }
0x59: {  	_ =	shalt  }
0x5a: {  	_ =	shalt  }
0x5b: {  	_ =	shalt  }
0x5c: {  	_ =	shalt  }
0x5d: {  	_ =	shalt  }
0x5e: {  	_ =	shalt  }
0x5f: {  	_ =	shalt  }
0x60: {  	_ =	shalt  }
0x61: {  	_ =	shalt  }
0x62: {  	_ =	shalt  }
0x63: {  	_ =	shalt  }
0x64: {  	_ =	shalt  }
0x65: {  	_ =	shalt  }
0x66: {  	_ =	shalt  }
0x67: {  	_ =	shalt  }
0x68: {  	_ =	shalt  }
0x69: {  	_ =	shalt  }
0x6a: {  	_ =	shalt  }
0x6b: {  	_ =	shalt  }
0x6c: {  	_ =	shalt  }
0x6d: {  	_ =	shalt  }
0x6e: {  	_ =	shalt  }
0x6f: {  	_ =	shalt  }
0x70: {  	_ =	shalt  }
0x71: {  	_ =	shalt  }
0x72: {  	_ =	shalt  }
0x73: {  	_ =	shalt  }
0x74: {  	_ =	shalt  }
0x75: {  	_ =	shalt  }
0x76: {  	_ =	shalt  }
0x77: {  	_ =	shalt  }
0x78: {  	_ =	shalt  }
0x79: {  	_ =	shalt  }
0x7a: {  	_ =	shalt  }
0x7b: {  	_ =	shalt  }
0x7c: {  	_ =	shalt  }
0x7d: {  	_ =	shalt  }
0x7e: {  	_ =	shalt  }
0x7f: {  	_ =	shalt  }
0x80: {  	_ =	shalt  }
0x81: {  	_ =	shalt  }
0x82: {  	_ =	shalt  }
0x83: {  	_ =	shalt  }
0x84: {  	_ =	shalt  }
0x85: {  	_ =	shalt  }
0x86: {  	_ =	shalt  }
0x87: {  	_ =	shalt  }
.Lfunc_end0:
.L_simem_size_0:
called_computation_lowered:
.L_overlay_start_0:
0x88: {  	s2 =	sld [smem:$0x3FD9]  }
0x89: {  	s3 =	sld [smem:$0x3FFE];
	_ =	sdelay $0x1  }
0x8a: {  	s1 =	srdreg.scid  }
0x8b: {  	s0 =	sand.u32 $0x1, s1  }
0x8c: {  	s17 =	sshll.u32 s0, $0xA;
	s2 =	sadd.s32 s3, s2  }
0x8d: {  	s2 =	sadd.s32 s2, s17  }
0x8e: {  	[smem:$0x3FC4] =	sst s2  }
0x8f: {  	_ = 	snop  }
0x90: {  	s2 =	sld [smem:$0x3FC6];
	(tm) =	ssettm $0x1  }
0x91: {  	s18 =	sld [smem:$0x3FFB];
	_ =	sdelay $0x3  }
0x92: {  	_ =	strace s18  }
0x93: {  	s3 =	sld [smem:$0x3FFC];
	_ =	sdelay $0x3  }
0x94: {  	_ =	strace s3  }
0x95: {  	s3 =	sld [smem:$0x3FFD];
	_ =	sdelay $0x3  }
0x96: {  	_ =	strace s3  }
0x97: {  	_ =	strace $0x8FFFFFFF  }
0x98: {  	s19 =	sld [smem:$0x3FDB];
	_ =	sdelay $0x1  }
0x99: {  	s4 =	simm.s32 $_scs_section_size  }
0x9a: {  	s5 =	simm.s32 $_size__tile_overlayer_lowered;
	s6 =	simm.s32 $_tile_overlayer_lowered  }
0x9b: {  	s22 =	simm.s32 $0x1BFF;
	s21 =	sshll.u32 s6, $0x1;
	s3 =	sadd.s32 s4, s19  }
0x9c: {  	s7 =	simm.s32 $0x0;
	s20 =	sshll.u32 s5, $0x1;
	s5 =	sadd.s32 s21, s3  }
0x9d: {  	[timem:s7], [sflag:s22] =	dma.local [hbm:s5], s20  }
0x9e: {  	_ =	swait.ge [sflag:s22], s20  }
0x9f: {  	s4 =	ssub.s32 $0x0, s20;
	[sflag:s22] =	ssyncset.done $0x0  }
0xa0: {  	[sflag:s22] =	ssyncadd.s32 s4;
	_ =	sdelay $0x1  }
0xa1: {  	s23 =	simm.s32 $0x1B8B  }
0xa2: {  	_ =	swait.ge [sflag:s23], $0x1  }
0xa3: {  	[sflag:s23] =	ssyncset.done $0x0  }
0xa4: {  	s25 =	simm.s32 $0x1B8E;
	s24 =	sld [smem:$0x3FFE];
	[sflag:s23] =	ssyncadd.s32 $0xFFFFFFFF  }
0xa5: {  	s26 =	simm.s32 $execute0_lowered;
	[smem:$0x3FD2] =	sst s25  }
0xa6: {  	s5 =	sshll.u32 s26, $0x1;
	_ =	strace $0x80000046;
	[dreg:$0x1] =	wrdreg $0xFFFFFFFF  }
0xa7: {  	s28 =	simm.s32 $_size_execute0_lowered;
	s3 =	sadd.s32 s3, s5;
	[dreg:$0x0] =	wrdreg $0x0  }
0xa8: {  	s5 =	sshll.u32 s28, $0x1;
	[dreg:$0x2] =	wrdreg s3  }
0xa9: {  	[dreg:$0x3] =	wrdreg s5  }
0xaa: {  	[dreg:$0x4] =	wrdreg $0xC0  }
0xab: {  	_ =	task [dreg:s7], $0x5FFFF  }
0xac: {  	[dreg:$0x1] =	wrdreg $0xFFFFFFFF  }
0xad: {  	[dreg:$0x0] =	wrdreg $0x60  }
0xae: {  	[dreg:$0x2] =	wrdreg s24  }
0xaf: {  	[dreg:$0x3] =	wrdreg s2  }
0xb0: {  	[dreg:$0x4] =	wrdreg $0x9  }
0xb1: {  	_ =	task.clear_ibuf [dreg:s7], $0x5FFFF;
	_ =	strace $0x90000046  }
0xb2: {  	s29 =	simm.s32 $0x9;
	_ =	strace $0x80000048  }
0xb3: {  	_ =	swait.ge [sflag:s29], $0x1  }
0xb4: {  	[sflag:s29] =	ssyncadd.s32 $0xFFFFFFFF  }
0xb5: {  	_ =	strace $0x90000048  }
0xb6: {  	_ =	sfence  }
0xb7: {  	s30 =	sld [smem:$0x0];
	_ =	sdelay $0x2  }
0xb8: {  	s31 =	sshll.u32 s1, $0xD;
	s1 =	sshrl.u32 s1, $0x2  }
0xb9: {  	s3 =	sand.u32 $0x4000, s31;
	s1 =	sadd.s32 s1, s30  }
0xba: {  	s0 =	sor.u32 s3, s0;
	s1 =	sshll.u32 s1, $0x11  }
0xbb: {  	s0 =	sor.u32 s1, s0  }
0xbc: {  	s0 =	sadd.s32 $0x8F2B, s0  }
0xbd: {  	[sflag:s0] =	ssyncadd.remote.s32 $0x1  }
0xbe: {  	_ =	sfence.sel $0xFFFF  }
0xbf: {  	[dreg:$0x0] =	wrdreg $0xFFFFFFFF;
	(pc) =	sbr.abs _section_cstart, $3  }
0xc0: {  	[dreg:$0x1] =	wrdreg $0xFFFFFFFF  }
0xc1: {  	_ =	task.clear_ibuf [dreg:s7], $0x2FFFF;
	_ =	strace $0x9FFFFFFF  }
0xc2: {  	(tm) =	ssettm $0x7FFFFFFF  }
0xc3: {  	_ =	shalt  }
tec
execute0_lowered:
.L_overlay_start_1:
0x0: {  	(tag) =	ssettag $0x1  }
0x1: {  	s1 =	srdreg.scid;
	s0 =	stileid.u32  }
0x2: {  	s22 =	sand.u32 $0x1, s1;
	s31 =	sshll.u32 s0, $0x1  }
0x3: {  	s23 =	rddreg [dreg:$0x0];
	s13 =	sor.u32 s22, s31  }
0x4: {  	s2 =	rddreg [dreg:$0x1];
	s3 =	simm.s32 $0x0;
	s4 =	sshll.u32 s13, $0x5  }
0x5: {  	s5 =	simm.s32 $0x3;
	[smem:$0x7FF] =	sst s3;
	s12 =	sadd.s32 s4, s23  }
0x6: {  	s1 =	rddreg [dreg:$0x2];
	_ =	strace $0x80000047;
	s4 =	sadd.s32 $0x1000, s12  }
0x7: {  	[tilespmem:s3], [sflag:$0x3] =	stream.linear.gather [hbm4b:s4+s3], $0x100, $0x38;
	[tilespmem:$0x4A40] =	vst v63  }
0x8: {  	_ =	swait.ge [sflag:s5], $0x100  }
0x9: {  	[sflag:s5] =	ssyncset.done $0x0  }
0xa: {  	s6 =	simm.s32 $0x100;
	s7 =	simm.s32 $0x4100;
	[sflag:s5] =	ssyncadd.s32 $0xFFFFFF00  }
0xb: {  	[tilespmem:s7], [sflag:$0x2] =	stream.indirect.gather [hbm4b:s2+s6], $0x1, s3, s6, $0xb8;
	[tilespmem:$0x4A40] =	vst v63  }
0xc: {  	s9 =	simm.s32 $0x1;
	s8 =	sadd.s32 $0xF43400, s23  }
0xd: {  	[tilespmem:s6], [sflag:$0x1] =	stream.indirect.gather [hbm4b:s8+s6], $0x40, s3, s6, $0xb8;
	[tilespmem:$0x4A40] =	vst v63  }
0xe: {  	_ =	swait.ge [sflag:s9], $0x4000  }
0xf: {  	[sflag:s9] =	ssyncset.done $0x0  }
0x10: {  	s10 =	simm.s32 $0x2;
	[sflag:s9] =	ssyncadd.s32 $0xFFFFC000  }
0x11: {  	s11 =	sshll.u32 s13, $0xB;
	_ =	swait.ge [sflag:s10], $0x100  }
0x12: {  	s11 =	sadd.s32 s11, s23;
	[sflag:s10] =	ssyncset.done $0x0  }
0x13: {  	s11 =	sadd.s32 $0x1800, s11;
	[sflag:s10] =	ssyncadd.s32 $0xFFFFFF00  }
0x14: {  	[hbm4b:s11+s3] =	stream.linear.scatter [tilespmem:s6], [sflag:$0x3], $0x4000, $0x38;
	[tilespmem:$0x4A40] =	vst v63  }
0x15: {  	_ =	swait.ge [sflag:s5], $0x4000  }
0x16: {  	[sflag:s5] =	ssyncset.done $0x0  }
0x17: {  	s12 =	sadd.s32 $0x11C00, s12;
	[sflag:s5] =	ssyncadd.s32 $0xFFFFC000  }
0x18: {  	[hbm4b:s12+s3] =	stream.linear.scatter [tilespmem:s7], [sflag:$0x3], $0x100, $0x38;
	[tilespmem:$0x4A40] =	vst v63  }
0x19: {  	p0 =	sne.s32 s13, $0x0;
	_ =	swait.ge [sflag:s5], $0x100  }
0x1a: {  	s14 =	sadd.s32 $0x1400, s23;
	s13 =	simm.s32 @!p0 $0x3;
	[sflag:s5] =	ssyncset.done $0x0  }
0x1b: {  	s15 =	simm.s32 @!p0 $0x0;
	s16 =	simm.s32 @!p0 $0x4200;
	[sflag:s5] =	ssyncadd.s32 $0xFFFFFF00  }
0x1c: {  	[tilespmem:s16], [sflag:$0x3] =	stream.linear.gather @!p0 [hbm4b:s14+s15], $0x20, $0x38;
	[tilespmem:$0x4A40] =	vst v63  }
0x1d: {  	_ =	swait.ge @!p0 [sflag:s13], $0x20  }
0x1e: {  	[sflag:s13] =	ssyncset.done @!p0 $0x0  }
0x1f: {  	s17 =	simm.s32 @!p0 $0x20;
	s18 =	simm.s32 @!p0 $0x4A20;
	[sflag:s13] =	ssyncadd.s32 @!p0 $0xFFFFFFE0  }
0x20: {  	[tilespmem:s18], [sflag:$0x2] =	stream.indirect.gather @!p0 [hbm4b:s2+s17], $0x1, s16, s17, $0xb8;
	[tilespmem:$0x4A40] =	vst v63  }
0x21: {  	s19 =	simm.s32 @!p0 $0x4220;
	s20 =	simm.s32 @!p0 $0x1  }
0x22: {  	[tilespmem:s19], [sflag:$0x1] =	stream.indirect.gather @!p0 [hbm4b:s8+s17], $0x40, s16, s17, $0xb8;
	[tilespmem:$0x4A40] =	vst v63  }
0x23: {  	_ =	swait.ge @!p0 [sflag:s20], $0x800  }
0x24: {  	s24 =	ssub.s32 $0x2, s22;
	[sflag:s20] =	ssyncset.done @!p0 $0x0  }
0x25: {  	s25 =	sshrl.u32 s24, $0x1;
	s21 =	simm.s32 @!p0 $0x2;
	[sflag:s20] =	ssyncadd.s32 @!p0 $0xFFFFF800  }
0x26: {  	s24 =	ssub.s32 s24, s25;
	_ =	swait.ge @!p0 [sflag:s21], $0x20  }
0x27: {  	s24 =	smax.u32 s24, $0x1;
	[sflag:s21] =	ssyncset.done @!p0 $0x0  }
0x28: {  	s22 =	sadd.s32 $0x11800, s23;
	s24 =	sadd.s32 $0xFFFFFFFF, s24;
	[sflag:s21] =	ssyncadd.s32 @!p0 $0xFFFFFFE0  }
0x29: {  	[hbm4b:s22+s15] =	stream.linear.scatter @!p0 [tilespmem:s19], [sflag:$0x3], $0x800, $0x38;
	[tilespmem:$0x4A40] =	vst v63  }
0x2a: {  	p1 =	sne.s32 s24, $0x0;
	_ =	swait.ge @!p0 [sflag:s13], $0x800  }
.Ltmp0:
0x2b: {  	[sflag:s13] =	ssyncset.done @!p0 $0x0;
	(pc) =	sbr.rel @!p1 .LBB2_2-.Ltmp0, $4  }
0x2c: {  	s23 =	sadd.s32 $0x11A00, s23;
	[sflag:s13] =	ssyncadd.s32 @!p0 $0xFFFFF800  }
0x2d: {  	[hbm4b:s23+s15] =	stream.linear.scatter @!p0 [tilespmem:s18], [sflag:$0x3], $0x20, $0x38;
	[tilespmem:$0x4A40] =	vst v63  }
0x2e: {  	_ =	swait.ge @!p0 [sflag:s13], $0x20  }
0x2f: {  	[sflag:s13] =	ssyncset.done @!p0 $0x0  }
.LBB2_1:
0x30: {  	s24 =	sadd.s32 $0xFFFFFFFF, s24;
	[sflag:s13] =	ssyncadd.s32 @!p0 $0xFFFFFFE0  }
0x31: {  	[tilespmem:s3], [sflag:$0x3] =	stream.linear.gather [hbm4b:s4+s3], $0x100, $0x38;
	[tilespmem:$0x4A40] =	vst v63  }
0x32: {  	p1 =	sne.s32 s24, $0x0;
	_ =	swait.ge [sflag:s5], $0x100  }
0x33: {  	[sflag:s5] =	ssyncset.done $0x0  }
0x34: {  	[sflag:s5] =	ssyncadd.s32 $0xFFFFFF00  }
0x35: {  	[tilespmem:s7], [sflag:$0x2] =	stream.indirect.gather [hbm4b:s2+s6], $0x1, s3, s6, $0xb8;
	[tilespmem:$0x4A40] =	vst v63  }
0x36: {  	_ = 	snop  }
0x37: {  	[tilespmem:s6], [sflag:$0x1] =	stream.indirect.gather [hbm4b:s8+s6], $0x40, s3, s6, $0xb8;
	[tilespmem:$0x4A40] =	vst v63  }
0x38: {  	_ =	swait.ge [sflag:s9], $0x4000  }
0x39: {  	[sflag:s9] =	ssyncset.done $0x0  }
0x3a: {  	[sflag:s9] =	ssyncadd.s32 $0xFFFFC000  }
0x3b: {  	_ =	swait.ge [sflag:s10], $0x100  }
0x3c: {  	[sflag:s10] =	ssyncset.done $0x0  }
0x3d: {  	[sflag:s10] =	ssyncadd.s32 $0xFFFFFF00  }
0x3e: {  	[hbm4b:s11+s3] =	stream.linear.scatter [tilespmem:s6], [sflag:$0x3], $0x4000, $0x38;
	[tilespmem:$0x4A40] =	vst v63  }
0x3f: {  	_ =	swait.ge [sflag:s5], $0x4000  }
0x40: {  	[sflag:s5] =	ssyncset.done $0x0  }
0x41: {  	[sflag:s5] =	ssyncadd.s32 $0xFFFFC000  }
0x42: {  	[hbm4b:s12+s3] =	stream.linear.scatter [tilespmem:s7], [sflag:$0x3], $0x100, $0x38;
	[tilespmem:$0x4A40] =	vst v63  }
0x43: {  	_ =	swait.ge [sflag:s5], $0x100  }
0x44: {  	[sflag:s5] =	ssyncset.done $0x0  }
0x45: {  	[sflag:s5] =	ssyncadd.s32 $0xFFFFFF00  }
0x46: {  	[tilespmem:s16], [sflag:$0x3] =	stream.linear.gather @!p0 [hbm4b:s14+s15], $0x20, $0x38;
	[tilespmem:$0x4A40] =	vst v63  }
0x47: {  	_ =	swait.ge @!p0 [sflag:s13], $0x20  }
0x48: {  	[sflag:s13] =	ssyncset.done @!p0 $0x0  }
0x49: {  	[sflag:s13] =	ssyncadd.s32 @!p0 $0xFFFFFFE0  }
0x4a: {  	[tilespmem:s18], [sflag:$0x2] =	stream.indirect.gather @!p0 [hbm4b:s2+s17], $0x1, s16, s17, $0xb8;
	[tilespmem:$0x4A40] =	vst v63  }
0x4b: {  	_ = 	snop  }
0x4c: {  	[tilespmem:s19], [sflag:$0x1] =	stream.indirect.gather @!p0 [hbm4b:s8+s17], $0x40, s16, s17, $0xb8;
	[tilespmem:$0x4A40] =	vst v63  }
0x4d: {  	_ =	swait.ge @!p0 [sflag:s20], $0x800  }
0x4e: {  	[sflag:s20] =	ssyncset.done @!p0 $0x0  }
0x4f: {  	[sflag:s20] =	ssyncadd.s32 @!p0 $0xFFFFF800  }
0x50: {  	_ =	swait.ge @!p0 [sflag:s21], $0x20  }
0x51: {  	[sflag:s21] =	ssyncset.done @!p0 $0x0  }
0x52: {  	[sflag:s21] =	ssyncadd.s32 @!p0 $0xFFFFFFE0  }
0x53: {  	[hbm4b:s22+s15] =	stream.linear.scatter @!p0 [tilespmem:s19], [sflag:$0x3], $0x800, $0x38;
	[tilespmem:$0x4A40] =	vst v63  }
0x54: {  	_ =	swait.ge @!p0 [sflag:s13], $0x800  }
.Ltmp1:
0x55: {  	[sflag:s13] =	ssyncset.done @!p0 $0x0;
	(pc) =	sbr.rel @p1 .LBB2_1-.Ltmp1, $4  }
0x56: {  	[sflag:s13] =	ssyncadd.s32 @!p0 $0xFFFFF800  }
0x57: {  	[hbm4b:s23+s15] =	stream.linear.scatter @!p0 [tilespmem:s18], [sflag:$0x3], $0x20, $0x38;
	[tilespmem:$0x4A40] =	vst v63  }
0x58: {  	_ =	swait.ge @!p0 [sflag:s13], $0x20  }
0x59: {  	[sflag:s13] =	ssyncset.done @!p0 $0x0  }
.LBB2_2:
0x5a: {  	[sflag:s13] =	ssyncadd.s32 @!p0 $0xFFFFFFE0  }
0x5b: {  	_ =	sfence.sel $0x180000  }
0x5c: {  	[bflag:$0x0] =	sbarrier.arrive $0xFFFF  }
0x5d: {  	p0 =	sne.s32 s0, $0x0;
	_ =	strace $0x90000047  }
0x5e: {  	s0 =	sadd.s32 @!p0 $0x100000, s1;
	[bflag:$0x2] =	sbarrier.arrive $0xFFFF  }
0x5f: {  	[sflag:s0] =	ssyncadd.tile.s32 @!p0 $0x1;
	_ =	shalt  }
.Lfunc_end2:
_tile_overlayer_lowered:
.L_overlay_start_2:
0x60: {  	(tag) =	ssettag $0x2  }
0x61: {  	s0 =	rddreg [dreg:$0x0];
	s2 =	stileid.u32  }
0x62: {  	s1 =	rddreg [dreg:$0x1];
	p0 =	sne.s32 s2, $0x0  }
0x63: {  	s3 =	rddreg [dreg:$0x2];
	[bflag:$0x3] =	sbarrier.arrive $0xFFFF;
	s2 =	simm.s32 @!p0 $0x1C03  }
0x64: {  	[timem:s3], [sflag:s2] =	dma.local @!p0 [hbm:s0], s1  }
0x65: {  	s0 =	simm.s32 @!p0 $0x3  }
0x66: {  	_ =	swait.ge @!p0 [sflag:s0], s1  }
0x67: {  	s1 =	ssub.s32 @!p0 $0x0, s1;
	[sflag:s0] =	ssyncset.done @!p0 $0x0  }
0x68: {  	[sflag:s0] =	ssyncadd.s32 @!p0 s1  }
0x69: {  	[bflag:$0x3] =	sbarrier.arrive $0xFFFF  }
0x6a: {  	_ =	shalt  }

</sc_bundles>
